<compile_context>
chip_gen: v7x
topology: tpu7x:2x2x1
jax: 0.10.2.dev20260603
libtpu: 0.0.44.dev20260713+nightly
codegen_flags: <defaults>
</compile_context>

<pallas_src>
import functools

import jax
import jax.numpy as jnp
from jax import lax
from jax.experimental import pallas as pl
from jax.experimental.pallas import tpu as pltpu
from jax.experimental.pallas import tpu_sc as plsc

_N = 100000
_C = 3
_NP = 100096
_K = 32
_NSUB = 32
_W = 3200
_LAST = _NP - (_NSUB - 1) * _W
_TRUE_WORD = 0x00010101
_LANES = 16


def _sc_body(idx_hbm, out_hbm, zbuf, idxv):
    wid = lax.axis_index("s") * 2 + lax.axis_index("c")
    pltpu.sync_copy(idx_hbm, idxv)

    @pl.loop(0, _W // _LANES)
    def _(j):
        zbuf[pl.ds(j * _LANES, _LANES)] = jnp.zeros((_LANES,), jnp.int32)
    w0 = wid * _W
    ones = jnp.full((_LANES,), _TRUE_WORD, jnp.int32)
    for h in range(_K // _LANES):
        v = idxv[pl.ds(h * _LANES, _LANES)]
        m = (v >= w0) & (v < w0 + _W)
        plsc.store_scatter(zbuf, [v - w0], ones, mask=m)
    @pl.when(wid < _NSUB - 1)
    def _():
        pltpu.sync_copy(zbuf, out_hbm.at[pl.ds(w0, _W)])
    @pl.when(wid == _NSUB - 1)
    def _():
        pltpu.sync_copy(zbuf.at[pl.ds(0, _LAST)],
                        out_hbm.at[pl.ds((_NSUB - 1) * _W, _LAST)])


@functools.cache
def _sc_call():
    mesh = plsc.VectorSubcoreMesh(core_axis_name="c", subcore_axis_name="s")
    return functools.partial(
        pl.kernel,
        mesh=mesh,
        compiler_params=pltpu.CompilerParams(needs_layout_passes=False),
        out_type=jax.ShapeDtypeStruct((_NP,), jnp.int32),
        scratch_types=[
            pltpu.VMEM((_W,), jnp.int32),
            pltpu.VMEM((_K,), jnp.int32),
        ],
    )(_sc_body)


def kernel(pos, idx):
    del pos
    words = _sc_call()(idx.astype(jnp.int32))
    return words[:_N, None] != jnp.zeros((1, _C), jnp.int32)

# --- scband reference (transcript-rebuilt; emitter-appended) ---
"""Pipeline reference for scband-fix-80393197846814 (READ-ONLY COPY).

The authoritative reference and input builder live on the scoring server;
editing this copy changes nothing except your own understanding.
"""

import jax, jax.numpy as jnp
import numpy as np


def setup_inputs(seed: int = 0) -> dict:
    key = jax.random.key(seed)
    k_pos, k_idx = jax.random.split(key)
    pos = jax.random.normal(k_pos, (16, 100000, 3), dtype=jnp.float32)
    # buffer idx registered at module construction: 32 fixed-atom indices
    idx = (jnp.arange(32, dtype=jnp.int64) * 3125).astype(jnp.int64)
    return {"pos": pos, "idx": idx}


def fix_msk(idx, size):
    # torch: msk = zeros(size, bool); msk[idx, :] = True
    assert len(size) == 2
    msk = jnp.zeros(tuple(size), dtype=bool)
    msk = msk.at[idx, :].set(True)
    return msk


def reference(pos, idx):
    # forward: size = list(mol['pos'].size())[1:]; return fix_msk(self.idx, size)
    size = list(pos.shape)[1:]
    return fix_msk(idx, size)

if __name__ == "__main__":
    import jax
    _d = setup_inputs()
    print(jax.jit(kernel)(*tuple(_d.values())))

</pallas_src>

<mosaic_0001>
#map = affine_map<(d0, d1) -> (0)>
module attributes {stable_mosaic.version = 14 : i64} {
  func.func @_sc_body(%arg0: i32, %arg1: i32, %arg2: memref<32xi32, #tpu.memory_space<hbm>>, %arg3: memref<100096xi32, #tpu.memory_space<hbm>>, %arg4: memref<3200xi32, #tpu.memory_space<vmem>>, %arg5: memref<32xi32, #tpu.memory_space<vmem>>) attributes {dimension_semantics = [#tpu.dimension_semantics<core_parallel>, #tpu.dimension_semantics<subcore_parallel>], iteration_bounds = array<i64: 2, 16>, scalar_prefetch = 0 : i64, scratch_operands = 2 : i64, tpu.core_type = #tpu.core_type<sc_vector_subcore>, window_params = [{transform_indices = #map}, {transform_indices = #map}]} {
    %mul3A = arith.constant 2 : i32
    %mul3A_0 = arith.muli %arg1, %mul3A : i32
    %add3A = arith.addi %mul3A_0, %arg0 : i32
    "tpu.region"() ({
      %run_scoped3A = tpu.sem_alloc : memref<!tpu.dma_semaphore, #tpu.memory_space<semaphore_mem>>
      tpu.enqueue_dma source(%arg2 : memref<32xi32, #tpu.memory_space<hbm>>) target(%arg5 : memref<32xi32, #tpu.memory_space<vmem>>) target_semaphore(%run_scoped3A : memref<!tpu.dma_semaphore, #tpu.memory_space<semaphore_mem>>)
      tpu.wait_dma2 semaphore(%run_scoped3A : memref<!tpu.dma_semaphore, #tpu.memory_space<semaphore_mem>>) src(%arg2 : memref<32xi32, #tpu.memory_space<hbm>>) dst(%arg5 : memref<32xi32, #tpu.memory_space<vmem>>)
      tpu.yield
    }) : () -> ()
    %scan3A = arith.constant 0 : i32
    %scan3A_1 = arith.constant 200 : i32
    %scan3A_2 = arith.addi %scan3A, %scan3A_1 : i32
    %scan3A_3 = arith.constant 1 : i32
    scf.for %scan3A_32 = %scan3A to %scan3A_2 step %scan3A_3  : i32 {
      %mul3A_33 = arith.constant 1 : i32
      %mul3A_34 = arith.muli %scan3A_32, %mul3A_33 : i32
      %add3A_35 = arith.constant 0 : i32
      %add3A_36 = arith.addi %add3A_35, %mul3A_34 : i32
      %broadcast_in_dim3A_37 = arith.constant 0 : i32
      %broadcast_in_dim3A_38 = vector.broadcast %broadcast_in_dim3A_37 : i32 to vector<16xi32>
      %mul3A_39 = arith.constant 16 : i32
      %mul3A_40 = arith.muli %add3A_36, %mul3A_39 : i32
      %swap3A = arith.index_cast %mul3A_40 : i32 to index
      %swap3A_41 = tpu.vector_load %arg4[%swap3A] {strides = array<i32>} : memref<3200xi32, #tpu.memory_space<vmem>>, vector<16xi32>,
      tpu.vector_store %arg4[%swap3A], %broadcast_in_dim3A_38 {strides = array<i32>} : memref<3200xi32, #tpu.memory_space<vmem>>, vector<16xi32>,
    }
    %scan3A_4 = arith.constant 200 : i32
    %mul3A_5 = arith.constant 3200 : i32
    %mul3A_6 = arith.muli %add3A, %mul3A_5 : i32
    %broadcast_in_dim3A = arith.constant 65793 : i32
    %broadcast_in_dim3A_7 = vector.broadcast %broadcast_in_dim3A : i32 to vector<16xi32>
    %get3A = arith.constant 0 : index
    %get3A_8 = tpu.vector_load %arg5[%get3A] {strides = array<i32>} : memref<32xi32, #tpu.memory_space<vmem>>, vector<16xi32>,
    %ge3A = vector.broadcast %mul3A_6 : i32 to vector<16xi32>
    %ge3A_9 = arith.cmpi sge, %get3A_8, %ge3A : vector<16xi32>
    %add3A_10 = arith.constant 3200 : i32
    %add3A_11 = arith.addi %mul3A_6, %add3A_10 : i32
    %lt3A = vector.broadcast %add3A_11 : i32 to vector<16xi32>
    %lt3A_12 = arith.cmpi slt, %get3A_8, %lt3A : vector<16xi32>
    %and3A = arith.andi %ge3A_9, %lt3A_12 : vector<16xi1>
    %sub3A = vector.broadcast %mul3A_6 : i32 to vector<16xi32>
    %sub3A_13 = arith.subi %get3A_8, %sub3A : vector<16xi32>
    tpu.vector_store_idx %arg4[%sub3A_13], %broadcast_in_dim3A_7 masked %and3A : memref<3200xi32, #tpu.memory_space<vmem>>[vector<16xi32>], vector<16xi32>, vector<16xi1>
    %get3A_14 = arith.constant 16 : index
    %get3A_15 = tpu.vector_load %arg5[%get3A_14] {strides = array<i32>} : memref<32xi32, #tpu.memory_space<vmem>>, vector<16xi32>,
    %ge3A_16 = vector.broadcast %mul3A_6 : i32 to vector<16xi32>
    %ge3A_17 = arith.cmpi sge, %get3A_15, %ge3A_16 : vector<16xi32>
    %add3A_18 = arith.constant 3200 : i32
    %add3A_19 = arith.addi %mul3A_6, %add3A_18 : i32
    %lt3A_20 = vector.broadcast %add3A_19 : i32 to vector<16xi32>
    %lt3A_21 = arith.cmpi slt, %get3A_15, %lt3A_20 : vector<16xi32>
    %and3A_22 = arith.andi %ge3A_17, %lt3A_21 : vector<16xi1>
    %sub3A_23 = vector.broadcast %mul3A_6 : i32 to vector<16xi32>
    %sub3A_24 = arith.subi %get3A_15, %sub3A_23 : vector<16xi32>
    tpu.vector_store_idx %arg4[%sub3A_24], %broadcast_in_dim3A_7 masked %and3A_22 : memref<3200xi32, #tpu.memory_space<vmem>>[vector<16xi32>], vector<16xi32>, vector<16xi1>
    %lt3A_25 = arith.constant 31 : i32
    %lt3A_26 = arith.cmpi slt, %add3A, %lt3A_25 : i32
    %convert_element_type3A = arith.extui %lt3A_26 : i1 to i32
    %cond3A = arith.constant 0 : i32
    %cond3A_27 = arith.cmpi ne, %convert_element_type3A, %cond3A : i32
    scf.if %cond3A_27 {
      "tpu.region"() ({
        %run_scoped3A = tpu.sem_alloc : memref<!tpu.dma_semaphore, #tpu.memory_space<semaphore_mem>>
        %dma_start3A = tpu.memref_slice %arg3[%mul3A_6] : memref<100096xi32, #tpu.memory_space<hbm>> -> memref<3200xi32, #tpu.memory_space<hbm>>
        %dma_start3A_32 = tpu.memref_slice %arg3[%mul3A_6] : memref<100096xi32, #tpu.memory_space<hbm>> -> memref<3200xi32, #tpu.memory_space<hbm>>
        tpu.enqueue_dma source(%arg4 : memref<3200xi32, #tpu.memory_space<vmem>>) target(%dma_start3A_32 : memref<3200xi32, #tpu.memory_space<hbm>>) target_semaphore(%run_scoped3A : memref<!tpu.dma_semaphore, #tpu.memory_space<semaphore_mem>>)
        %dma_wait3A = tpu.memref_slice %arg3[%mul3A_6] : memref<100096xi32, #tpu.memory_space<hbm>> -> memref<3200xi32, #tpu.memory_space<hbm>>
        %dma_wait3A_33 = tpu.memref_slice %arg3[%mul3A_6] : memref<100096xi32, #tpu.memory_space<hbm>> -> memref<3200xi32, #tpu.memory_space<hbm>>
        tpu.wait_dma2 semaphore(%run_scoped3A : memref<!tpu.dma_semaphore, #tpu.memory_space<semaphore_mem>>) src(%arg4 : memref<3200xi32, #tpu.memory_space<vmem>>) dst(%dma_wait3A_33 : memref<3200xi32, #tpu.memory_space<hbm>>)
        tpu.yield
      }) : () -> ()
    } else {
    }
    %eq3A = arith.constant 31 : i32
    %eq3A_28 = arith.cmpi eq, %add3A, %eq3A : i32
    %convert_element_type3A_29 = arith.extui %eq3A_28 : i1 to i32
    %cond3A_30 = arith.constant 0 : i32
    %cond3A_31 = arith.cmpi ne, %convert_element_type3A_29, %cond3A_30 : i32
    scf.if %cond3A_31 {
      "tpu.region"() ({
        %run_scoped3A = tpu.sem_alloc : memref<!tpu.dma_semaphore, #tpu.memory_space<semaphore_mem>>
        %dma_start3A = arith.constant 0 : i32
        %dma_start3A_32 = tpu.memref_slice %arg4[%dma_start3A] : memref<3200xi32, #tpu.memory_space<vmem>> -> memref<896xi32, #tpu.memory_space<vmem>>
        %dma_start3A_33 = arith.constant 99200 : i32
        %dma_start3A_34 = tpu.memref_slice %arg3[%dma_start3A_33] : memref<100096xi32, #tpu.memory_space<hbm>> -> memref<896xi32, #tpu.memory_space<hbm>>
        %dma_start3A_35 = arith.constant 99200 : i32
        %dma_start3A_36 = tpu.memref_slice %arg3[%dma_start3A_35] : memref<100096xi32, #tpu.memory_space<hbm>> -> memref<896xi32, #tpu.memory_space<hbm>>
        %dma_start3A_37 = arith.constant 0 : i32
        %dma_start3A_38 = tpu.memref_slice %arg4[%dma_start3A_37] : memref<3200xi32, #tpu.memory_space<vmem>> -> memref<896xi32, #tpu.memory_space<vmem>>
        tpu.enqueue_dma source(%dma_start3A_38 : memref<896xi32, #tpu.memory_space<vmem>>) target(%dma_start3A_36 : memref<896xi32, #tpu.memory_space<hbm>>) target_semaphore(%run_scoped3A : memref<!tpu.dma_semaphore, #tpu.memory_space<semaphore_mem>>)
        %dma_wait3A = arith.constant 0 : i32
        %dma_wait3A_39 = tpu.memref_slice %arg4[%dma_wait3A] : memref<3200xi32, #tpu.memory_space<vmem>> -> memref<896xi32, #tpu.memory_space<vmem>>
        %dma_wait3A_40 = arith.constant 99200 : i32
        %dma_wait3A_41 = tpu.memref_slice %arg3[%dma_wait3A_40] : memref<100096xi32, #tpu.memory_space<hbm>> -> memref<896xi32, #tpu.memory_space<hbm>>
        %dma_wait3A_42 = arith.constant 99200 : i32
        %dma_wait3A_43 = tpu.memref_slice %arg3[%dma_wait3A_42] : memref<100096xi32, #tpu.memory_space<hbm>> -> memref<896xi32, #tpu.memory_space<hbm>>
        %dma_wait3A_44 = arith.constant 0 : i32
        %dma_wait3A_45 = tpu.memref_slice %arg4[%dma_wait3A_44] : memref<3200xi32, #tpu.memory_space<vmem>> -> memref<896xi32, #tpu.memory_space<vmem>>
        tpu.wait_dma2 semaphore(%run_scoped3A : memref<!tpu.dma_semaphore, #tpu.memory_space<semaphore_mem>>) src(%dma_wait3A_45 : memref<896xi32, #tpu.memory_space<vmem>>) dst(%dma_wait3A_43 : memref<896xi32, #tpu.memory_space<hbm>>)
        tpu.yield
      }) : () -> ()
    } else {
    }
    return
  }
}

</mosaic_0001>

<sc_bundles>
// kernel: kernel.3.cloned.1.call-start
scs
__scs_entry_jumppad:
0x0: {  	(pc) =	sbr.rel $0x88, $3  }
0x1: {  	(tag) =	ssettag $0x0;
	lr =	simm.s32 $0x1  }
0x2: {  	[smem:$0x3FA0] =	sst lr;
	_ =	strace $0xD0000000  }
0x3: {  	_ = 	snop  }
0x4: {  	_ = 	snop  }
0x5: {  	_ = 	snop  }
0x6: {  	_ = 	snop  }
0x7: {  	_ = 	snop  }
__scs_overlays_trampoline_lowered:
0x8: {  	[smem:$0x3FAF] =	sst s0  }
0x9: {  	[smem:$0x3FB0] =	sst s1  }
0xa: {  	[smem:$0x3FB1] =	sst s2  }
0xb: {  	[smem:$0x3FB2] =	sst s3  }
0xc: {  	[smem:$0x3FB3] =	sst s4  }
0xd: {  	[smem:$0x3FB4] =	sst s5  }
0xe: {  	[smem:$0x3FB5] =	sst s6  }
0xf: {  	[smem:$0x3FB6] =	sst s7  }
0x10: {  	[smem:$0x3FB7] =	sst s8  }
0x11: {  	[smem:$0x3FB8] =	sst s9;
	s0 =	simm.s32 @!p0 $0x0  }
0x12: {  	s1 =	sld [smem:$0x3F9E];
	s0 =	simm.s32 @p0 $0x1  }
0x13: {  	[smem:$0x3FB9] =	sst s0;
	s0 =	simm.s32 @!p1 $0x0  }
0x14: {  	s2 =	sld [smem:$0x3F9D];
	s0 =	simm.s32 @p1 $0x1  }
0x15: {  	[smem:$0x3FBA] =	sst s0;
	s0 =	simm.s32 @!p2 $0x0  }
0x16: {  	s3 =	sld [smem:$0x3FDB];
	s0 =	simm.s32 @p2 $0x1  }
0x17: {  	s4 =	simm.s32 $0x1BF5;
	[smem:$0x3FBC] =	sst s0  }
0x18: {  	s0 =	sld [smem:$0x3F9F];
	_ =	swait.ge [sflag:s4], $0x0  }
0x19: {  	s7 =	sld [smem:$0x3FA0]  }
0x1a: {  	s8 =	sadd.s32 $0xFFFFE003, lr  }
0x1b: {  	s9 =	sadd.s32 $0xFFFFFEF7, lr;
	s5 =	simm.s32 $0xFFFFFFFF;
	p2 =	slt.u32 s8, $0xFFFFF086  }
0x1c: {  	p1 =	slt.u32 s9, $0xF7A;
	s5 =	simm.s32 @!p2 $0x0  }
0x1d: {  	s5 =	simm.s32 @p1 $0x1;
	p0 =	seq.s32 s7, s2  }
0x1e: {  	s7 =	smul.u32 @!p0 $0xF7A, s2;
	p2 =	seq.s32 @!p0 s5, $0x0  }
0x1f: {  	s9 =	smul.u32 $0xF7A, s1;
	s8 =	simm.s32 @!p0 $0x1BF5;
	p2 =	por !p2, p0  }
0x20: {  	[sflag:s8] =	ssyncset.s32 @!p0 $0xFFFFF086;
	s6 =	sadd.s32 @!p0 s3, s7;
	s7 =	simm.s32 @!p0 $0x108  }
0x21: {  	s3 =	sadd.s32 s3, s9;
	s6 =	sadd.s32 @!p0 $0x88, s6;
	s7 =	simm.s32 @p2 $0x1082  }
0x22: {  	[simem:s7], [sflag:s8] =	dma.local @!p0 [hbm:s6], $0xF7A  }
0x23: {  	s9 =	sor.u32 $0xD0000000, s2;
	s6 =	simm.s32 $0x108;
	_ =	swait.ge @!p0 [sflag:s8], $0x0  }
0x24: {  	s3 =	sadd.s32 $0x88, s3;
	s6 =	simm.s32 @!p1 $0x1082;
	[sflag:s4] =	ssyncset.s32 $0xFFFFF086  }
0x25: {  	[simem:s6], [sflag:s4] =	dma.local [hbm:s3], $0xF7A  }
0x26: {  	[smem:$0x3FA0] =	sst s1;
	(tag) =	ssettag s2;
	_ =	strace s9  }
0x27: {  	s1 =	sld [smem:$0x3FB0]  }
0x28: {  	s2 =	sld [smem:$0x3FB1]  }
0x29: {  	s4 =	sld [smem:$0x3FB3]  }
0x2a: {  	p0 =	seq.s32 s5, $0x0;
	s5 =	sld [smem:$0x3FB4]  }
0x2b: {  	s6 =	sld [smem:$0x3FB5]  }
0x2c: {  	s7 =	sld [smem:$0x3FB6]  }
0x2d: {  	s3 =	simm.s32 $0x108;
	s8 =	sld [smem:$0x3FB7]  }
0x2e: {  	s3 =	simm.s32 @!p0 $0x1082;
	s9 =	sld [smem:$0x3FB8]  }
0x2f: {  	lr =	sadd.s32 s0, s3;
	s0 =	sld [smem:$0x3FAF]  }
0x30: {  	s3 =	sld [smem:$0x3FB2]  }
0x31: {  	[smem:$0x3FBB] =	sst s10  }
0x32: {  	s10 =	sld [smem:$0x3FB9];
	_ =	sdelay $0x3  }
0x33: {  	p0 =	seq.s32 s10, $0x1;
	s10 =	sld [smem:$0x3FBB];
	_ =	sdelay $0x3  }
0x34: {  	[smem:$0x3FBB] =	sst s10  }
0x35: {  	s10 =	sld [smem:$0x3FBA];
	_ =	sdelay $0x3  }
0x36: {  	p1 =	seq.s32 s10, $0x1;
	s10 =	sld [smem:$0x3FBB];
	_ =	sdelay $0x3  }
0x37: {  	[smem:$0x3FBB] =	sst s10  }
0x38: {  	s10 =	sld [smem:$0x3FBC]  }
0x39: {  	_ = 	snop;
	(pc) =	sbr.ind lr, $3  }
0x3a: {  	_ = 	snop  }
0x3b: {  	_ = 	snop  }
0x3c: {  	p2 =	seq.s32 s10, $0x1;
	s10 =	sld [smem:$0x3FBB]  }
0x3d: {  	_ =	shalt  }
0x3e: {  	_ =	shalt  }
0x3f: {  	_ =	shalt  }
0x40: {  	_ =	shalt  }
0x41: {  	_ =	shalt  }
0x42: {  	_ =	shalt  }
0x43: {  	_ =	shalt  }
0x44: {  	_ =	shalt  }
0x45: {  	_ =	shalt  }
0x46: {  	_ =	shalt  }
0x47: {  	_ =	shalt  }
0x48: {  	_ =	shalt  }
0x49: {  	_ =	shalt  }
0x4a: {  	_ =	shalt  }
0x4b: {  	_ =	shalt  }
0x4c: {  	_ =	shalt  }
0x4d: {  	_ =	shalt  }
0x4e: {  	_ =	shalt  }
0x4f: {  	_ =	shalt  }
0x50: {  	_ =	shalt  }
0x51: {  	_ =	shalt  }
0x52: {  	_ =	shalt  }
0x53: {  	_ =	shalt  }
0x54: {  	_ =	shalt  }
0x55: {  	_ =	shalt  }
0x56: {  	_ =	shalt  }
0x57: {  	_ =	shalt  }
0x58: {  	_ =	shalt  }
0x59: {  	_ =	shalt  }
0x5a: {  	_ =	shalt  }
0x5b: {  	_ =	shalt  }
0x5c: {  	_ =	shalt  }
0x5d: {  	_ =	shalt  }
0x5e: {  	_ =	shalt  }
0x5f: {  	_ =	shalt  }
0x60: {  	_ =	shalt  }
0x61: {  	_ =	shalt  }
0x62: {  	_ =	shalt  }
0x63: {  	_ =	shalt  }
0x64: {  	_ =	shalt  }
0x65: {  	_ =	shalt  }
0x66: {  	_ =	shalt  }
0x67: {  	_ =	shalt  }
0x68: {  	_ =	shalt  }
0x69: {  	_ =	shalt  }
0x6a: {  	_ =	shalt  }
0x6b: {  	_ =	shalt  }
0x6c: {  	_ =	shalt  }
0x6d: {  	_ =	shalt  }
0x6e: {  	_ =	shalt  }
0x6f: {  	_ =	shalt  }
0x70: {  	_ =	shalt  }
0x71: {  	_ =	shalt  }
0x72: {  	_ =	shalt  }
0x73: {  	_ =	shalt  }
0x74: {  	_ =	shalt  }
0x75: {  	_ =	shalt  }
0x76: {  	_ =	shalt  }
0x77: {  	_ =	shalt  }
0x78: {  	_ =	shalt  }
0x79: {  	_ =	shalt  }
0x7a: {  	_ =	shalt  }
0x7b: {  	_ =	shalt  }
0x7c: {  	_ =	shalt  }
0x7d: {  	_ =	shalt  }
0x7e: {  	_ =	shalt  }
0x7f: {  	_ =	shalt  }
0x80: {  	_ =	shalt  }
0x81: {  	_ =	shalt  }
0x82: {  	_ =	shalt  }
0x83: {  	_ =	shalt  }
0x84: {  	_ =	shalt  }
0x85: {  	_ =	shalt  }
0x86: {  	_ =	shalt  }
0x87: {  	_ =	shalt  }
.Lfunc_end0:
.L_simem_size_0:
called_computation_lowered:
.L_overlay_start_0:
0x88: {  	s2 =	sld [smem:$0x3FD9]  }
0x89: {  	s3 =	sld [smem:$0x3FFE];
	_ =	sdelay $0x1  }
0x8a: {  	s1 =	srdreg.scid  }
0x8b: {  	s0 =	sand.u32 $0x1, s1  }
0x8c: {  	s17 =	sshll.u32 s0, $0xA;
	s2 =	sadd.s32 s3, s2  }
0x8d: {  	s2 =	sadd.s32 s2, s17  }
0x8e: {  	[smem:$0x3FC7] =	sst s2  }
0x8f: {  	_ = 	snop  }
0x90: {  	s2 =	sld [smem:$0x3FC9];
	(tm) =	ssettm $0x1  }
0x91: {  	s18 =	sld [smem:$0x3FFB];
	_ =	sdelay $0x3  }
0x92: {  	_ =	strace s18  }
0x93: {  	s3 =	sld [smem:$0x3FFC];
	_ =	sdelay $0x3  }
0x94: {  	_ =	strace s3  }
0x95: {  	s3 =	sld [smem:$0x3FFD];
	_ =	sdelay $0x3  }
0x96: {  	_ =	strace s3  }
0x97: {  	_ =	strace $0x8FFFFFFF  }
0x98: {  	s19 =	sld [smem:$0x3FDB];
	_ =	sdelay $0x1  }
0x99: {  	s4 =	simm.s32 $_scs_section_size  }
0x9a: {  	s5 =	simm.s32 $_size__tile_overlayer_lowered;
	s6 =	simm.s32 $_tile_overlayer_lowered  }
0x9b: {  	s22 =	simm.s32 $0x1BFF;
	s21 =	sshll.u32 s6, $0x1;
	s3 =	sadd.s32 s4, s19  }
0x9c: {  	s7 =	simm.s32 $0x0;
	s20 =	sshll.u32 s5, $0x1;
	s5 =	sadd.s32 s21, s3  }
0x9d: {  	[timem:s7], [sflag:s22] =	dma.local [hbm:s5], s20  }
0x9e: {  	_ =	swait.ge [sflag:s22], s20  }
0x9f: {  	s4 =	ssub.s32 $0x0, s20;
	[sflag:s22] =	ssyncset.done $0x0  }
0xa0: {  	[sflag:s22] =	ssyncadd.s32 s4;
	_ =	sdelay $0x1  }
0xa1: {  	s23 =	simm.s32 $0x1B8B  }
0xa2: {  	_ =	swait.ge [sflag:s23], $0x1  }
0xa3: {  	[sflag:s23] =	ssyncset.done $0x0  }
0xa4: {  	s25 =	simm.s32 $0x1B8E;
	s24 =	sld [smem:$0x3FFE];
	[sflag:s23] =	ssyncadd.s32 $0xFFFFFFFF  }
0xa5: {  	s26 =	simm.s32 $execute0_lowered;
	[smem:$0x3FD2] =	sst s25  }
0xa6: {  	s5 =	sshll.u32 s26, $0x1;
	_ =	strace $0x80000046;
	[dreg:$0x1] =	wrdreg $0xFFFFFFFF  }
0xa7: {  	s28 =	simm.s32 $_size_execute0_lowered;
	s3 =	sadd.s32 s3, s5;
	[dreg:$0x0] =	wrdreg $0x0  }
0xa8: {  	s5 =	sshll.u32 s28, $0x1;
	[dreg:$0x2] =	wrdreg s3  }
0xa9: {  	[dreg:$0x3] =	wrdreg s5  }
0xaa: {  	[dreg:$0x4] =	wrdreg $0xC0  }
0xab: {  	_ =	task [dreg:s7], $0x5FFFF  }
0xac: {  	[dreg:$0x1] =	wrdreg $0xFFFFFFFF  }
0xad: {  	[dreg:$0x0] =	wrdreg $0x60  }
0xae: {  	[dreg:$0x2] =	wrdreg s2  }
0xaf: {  	[dreg:$0x3] =	wrdreg s24  }
0xb0: {  	[dreg:$0x4] =	wrdreg $0x9  }
0xb1: {  	_ =	task.clear_ibuf [dreg:s7], $0x5FFFF;
	_ =	strace $0x90000046  }
0xb2: {  	s29 =	simm.s32 $0x9;
	_ =	strace $0x80000048  }
0xb3: {  	_ =	swait.ge [sflag:s29], $0x1  }
0xb4: {  	[sflag:s29] =	ssyncadd.s32 $0xFFFFFFFF  }
0xb5: {  	_ =	strace $0x90000048  }
0xb6: {  	_ =	sfence  }
0xb7: {  	s30 =	sld [smem:$0x0];
	_ =	sdelay $0x2  }
0xb8: {  	s31 =	sshll.u32 s1, $0xD;
	s1 =	sshrl.u32 s1, $0x2  }
0xb9: {  	s3 =	sand.u32 $0x4000, s31;
	s1 =	sadd.s32 s1, s30  }
0xba: {  	s0 =	sor.u32 s3, s0;
	s1 =	sshll.u32 s1, $0x11  }
0xbb: {  	s0 =	sor.u32 s1, s0  }
0xbc: {  	s0 =	sadd.s32 $0x8F2B, s0  }
0xbd: {  	[sflag:s0] =	ssyncadd.remote.s32 $0x1  }
0xbe: {  	_ =	sfence.sel $0xFFFF  }
0xbf: {  	[dreg:$0x0] =	wrdreg $0xFFFFFFFF;
	(pc) =	sbr.abs _section_cstart, $3  }
0xc0: {  	[dreg:$0x1] =	wrdreg $0xFFFFFFFF  }
0xc1: {  	_ =	task.clear_ibuf [dreg:s7], $0x2FFFF;
	_ =	strace $0x9FFFFFFF  }
0xc2: {  	(tm) =	ssettm $0x7FFFFFFF  }
0xc3: {  	_ =	shalt  }
tec
execute0_lowered:
.L_overlay_start_1:
0x0: {  	(tag) =	ssettag $0x1  }
0x1: {  	s1 =	srdreg.scid;
	s2 =	rddreg [dreg:$0x0]  }
0x2: {  	s0 =	stileid.u32;
	s5 =	rddreg [dreg:$0x1];
	s3 =	simm.s32 $0x0  }
0x3: {  	s4 =	sand.u32 $0x1, s1;
	s31 =	sshll.u32 s0, $0x1;
	s1 =	rddreg [dreg:$0x2]  }
0x4: {  	[smem:$0x7FF] =	sst s3;
	s9 =	sor.u32 s4, s31  }
0x5: {  	s4 =	ssub.s32 $0x2, s4;
	_ =	strace $0x80000047;
	s6 =	smul.u32 $0xC80, s9  }
0x6: {  	s8 =	sshrl.u32 s4, $0x1;
	p0 =	seq.s32 s9, $0x1F;
	s9 =	simm.s32 $0x0  }
0x7: {  	s8 =	ssub.s32 s4, s8;
	s7 =	sshrl.u32 s6, $0x3;
	s10 =	sadd.s32 $0xC80, s6  }
0x8: {  	v0 =	vmov s6;
	s6 =	smax.u32 s8, $0x1;
	s8 =	simm.s32 $0x1;
	s7 =	sadd.s32 s7, s5  }
0x9: {  	v2 =	vimm.s32 $0x0;
	v3 =	vimm.s32 $0x10101;
	s5 =	sadd.s32 $0x3470, s5;
	v1 =	vmov s10;
	s4 =	sadd.s32 $0x400, s7;
	s7 =	simm.s32 $0xC80  }
.LBB2_1:
0xa: {  	[tilespmem:s7], [sflag:$0x1] =	stream.linear.gather [hbm4b:s2+s3], $0x80, $0x38;
	[tilespmem:$0xD00] =	vst v63  }
0xb: {  	_ =	swait.ge [sflag:s8], $0x80  }
0xc: {  	[sflag:s8] =	ssyncset.done $0x0  }
0xd: {  	s10 =	simm.s32 $0x40;
	s11 =	simm.s32 $0x0;
	[sflag:s8] =	ssyncadd.s32 $0xFFFFFF80  }
.LBB2_2:
0xe: {  	p1 =	sne.s32 s10, $0x31C0;
	[tilespmem:s11+$0x0] =	vst v2;
	s11 =	smov.u32 s10;
	s10 =	sadd.s32 $0x40, s10  }
.Ltmp0:
0xf: {  	(pc) =	sbr.rel @p1 .LBB2_2-.Ltmp0, $2  }
0x10: {  	_ =	sdelay $0x2  }
0x11: {  	s11 =	sshra.s32 s11, $0x2  }
0x12: {  	[tilespmem:s11+$0x0] =	vst v2  }
0x13: {  	v4 =	vld [tilespmem:$0xC80];
	_ =	sdelay $0x4  }
0x14: {  	vm0 =	vge.s32 v4, v0;
	vm1 =	vlt.s32 v4, v1;
	v5 =	vsub.s32 v4, v0  }
0x15: {  	v4 =	vand.u32 $0x7F, v4;
	vm0 =	vmand vm0, vm1;
	v5 =	vand.u32 $0xFFFFFF80, v5  }
0x16: {  	v4 =	vor.u32 v4, v5;
	_ =	sdelay $0x4  }
0x17: {  	[tilespmem:v4+s3+$0x0] =	vst.idx.msk vm0, v3  }
0x18: {  	v4 =	vld [tilespmem:$0xC90];
	_ =	sdelay $0x4  }
0x19: {  	vm14 =	vge.s32 v4, v0;
	vm15 =	vlt.s32 v4, v1;
	v5 =	vsub.s32 v4, v0  }
0x1a: {  	v4 =	vand.u32 $0x7F, v4;
	vm0 =	vmand vm14, vm15;
	v5 =	vand.u32 $0xFFFFFF80, v5  }
0x1b: {  	v4 =	vor.u32 v4, v5;
	_ =	sdelay $0x4  }
0x1c: {  	s10 =	simm.s32 @p0 $0x0;
	[tilespmem:v4+s3+$0x0] =	vst.idx.msk vm0, v3  }
0x1d: {  	[hbm4b:s5+s10] =	stream.linear.scatter @p0 [tilespmem:s10], [sflag:$0x1], $0x380, $0x38;
	[tilespmem:$0xD00] =	vst v63  }
0x1e: {  	s10 =	simm.s32 @p0 $0x1  }
0x1f: {  	_ =	swait.ge @p0 [sflag:s10], $0x380  }
0x20: {  	s9 =	sadd.s32 $0x1, s9;
	[sflag:s10] =	ssyncset.done @p0 $0x0  }
0x21: {  	p1 =	sne.s32 s9, s6;
	[sflag:s10] =	ssyncadd.s32 @p0 $0xFFFFFC80;
	s10 =	simm.s32 @!p0 $0x0  }
0x22: {  	[hbm4b:s4+s10] =	stream.linear.scatter @!p0 [tilespmem:s10], [sflag:$0x1], $0xC80, $0x38;
	[tilespmem:$0xD00] =	vst v63  }
.Ltmp1:
0x23: {  	_ = 	snop;
	(pc) =	sbr.rel @p1 .LBB2_1-.Ltmp1, $4  }
0x24: {  	s10 =	simm.s32 @!p0 $0x1  }
0x25: {  	_ =	swait.ge @!p0 [sflag:s10], $0xC80  }
0x26: {  	[sflag:s10] =	ssyncset.done @!p0 $0x0  }
0x27: {  	[sflag:s10] =	ssyncadd.s32 @!p0 $0xFFFFF380  }
0x28: {  	_ =	sfence.sel $0x180000  }
0x29: {  	[bflag:$0x0] =	sbarrier.arrive $0xFFFF  }
0x2a: {  	p0 =	sne.s32 s0, $0x0;
	_ =	strace $0x90000047  }
0x2b: {  	s0 =	sadd.s32 @!p0 $0x100000, s1;
	[bflag:$0x2] =	sbarrier.arrive $0xFFFF  }
0x2c: {  	[sflag:s0] =	ssyncadd.tile.s32 @!p0 $0x1;
	_ =	shalt  }
.Lfunc_end2:
_tile_overlayer_lowered:
.L_overlay_start_2:
0x2d: {  	(tag) =	ssettag $0x2  }
0x2e: {  	s0 =	rddreg [dreg:$0x0];
	s2 =	stileid.u32  }
0x2f: {  	s1 =	rddreg [dreg:$0x1];
	p0 =	sne.s32 s2, $0x0  }
0x30: {  	s3 =	rddreg [dreg:$0x2];
	[bflag:$0x3] =	sbarrier.arrive $0xFFFF;
	s2 =	simm.s32 @!p0 $0x1C01  }
0x31: {  	[timem:s3], [sflag:s2] =	dma.local @!p0 [hbm:s0], s1  }
0x32: {  	s0 =	simm.s32 @!p0 $0x1  }
0x33: {  	_ =	swait.ge @!p0 [sflag:s0], s1  }
0x34: {  	s1 =	ssub.s32 @!p0 $0x0, s1;
	[sflag:s0] =	ssyncset.done @!p0 $0x0  }
0x35: {  	[sflag:s0] =	ssyncadd.s32 @!p0 s1  }
0x36: {  	[bflag:$0x3] =	sbarrier.arrive $0xFFFF  }
0x37: {  	_ =	shalt  }

</sc_bundles>
